<compile_context>
chip_gen: v7x
topology: tpu7x:2x2x1
jax: 0.10.2.dev20260603
libtpu: 0.0.44.dev20260713+nightly
codegen_flags: <defaults>
</compile_context>

<pallas_src>
import functools

import jax
import jax.numpy as jnp
from jax import lax
from jax.experimental import pallas as pl
from jax.experimental.pallas import tpu as pltpu
from jax.experimental.pallas import tpu_sc as plsc

_TAU = 0.9
_TOP_P = 0.8
_MIN_K = 1
_BB = 128
_Q = 4
_CH = _BB // _Q

_NC = 2
_NS = 16
_NW = _NC * _NS


def _gate_body(x_ref, cwa_ref, cwb_ref, cb_ref, fw_ref, fb_ref, out_ref,
               buf, sems):
    i = pl.program_id(0)
    nsteps = pl.num_programs(0)

    def start(step, slot):
        base = step * _BB
        for c in range(_Q):
            pltpu.make_async_copy(
                x_ref.at[pl.ds(base + c * _CH, _CH)],
                buf.at[slot, pl.ds(c * _CH, _CH)],
                sems.at[slot, c],
            ).start()

    @pl.when(i == 0)
    def _():
        start(0, 0)

    @pl.when(i + 1 < nsteps)
    def _():
        start(i + 1, (i + 1) % 2)

    slot = i % 2
    for c in range(_Q):
        pltpu.make_async_copy(
            x_ref.at[pl.ds(i * _BB + c * _CH, _CH)],
            buf.at[slot, pl.ds(c * _CH, _CH)],
            sems.at[slot, c],
        ).wait()

    xb = buf[slot]
    dn = (((1,), (0,)), ((), ()))
    ya = lax.dot_general(xb[:, :, 0:64], cwa_ref[...], dn,
                         preferred_element_type=jnp.float32)
    yb = lax.dot_general(xb[:, :, 64:128], cwb_ref[...], dn,
                         preferred_element_type=jnp.float32)
    y = jnp.maximum(ya + yb + cb_ref[...][None], 0.0)
    pooled = jnp.mean(y, axis=1)
    out_ref[...] = (jnp.dot(pooled, fw_ref[...],
                            preferred_element_type=jnp.float32)
                    + fb_ref[...])


def _gate(patch, conv_w, conv_b, fc_w, fc_b):
    B, C, H, W = patch.shape
    R = (C * H * W) // 128
    x = patch.reshape(B, R, 128)
    return pl.pallas_call(
        _gate_body,
        grid=(B // _BB,),
        in_specs=[
            pl.BlockSpec(memory_space=pltpu.MemorySpace.HBM),
            pl.BlockSpec((C // 2, 128), lambda i: (0, 0)),
            pl.BlockSpec((C // 2, 128), lambda i: (0, 0)),
            pl.BlockSpec((1, 128), lambda i: (0, 0)),
            pl.BlockSpec((128, 16), lambda i: (0, 0)),
            pl.BlockSpec((1, 16), lambda i: (0, 0)),
        ],
        out_specs=pl.BlockSpec((_BB, 16), lambda i: (i, 0)),
        out_shape=jax.ShapeDtypeStruct((B, 16), jnp.float32),
        scratch_shapes=[
            pltpu.VMEM((2, _BB, R, 128), jnp.float32),
            pltpu.SemaphoreType.DMA((2, _Q)),
        ],
    )(x, conv_w.T[0::2, :], conv_w.T[1::2, :], conv_b.reshape(1, 128),
      fc_w.T, fc_b.reshape(1, 16))


def _route_sc(logits):
    B, E = logits.shape
    rpw = B // _NW
    mesh = plsc.VectorSubcoreMesh(core_axis_name="c", subcore_axis_name="s")

    @functools.partial(
        pl.kernel,
        mesh=mesh,
        out_type=jax.ShapeDtypeStruct((B, E), jnp.float32),
        scratch_types=[
            pltpu.VMEM((rpw, E), jnp.float32),
            pltpu.VMEM((rpw, E), jnp.float32),
        ],
        compiler_params=pltpu.CompilerParams(needs_layout_passes=False),
    )
    def route(logits_hbm, out_hbm, rows_v, out_v):
        wid = lax.axis_index("s") * _NC + lax.axis_index("c")
        base = wid * rpw
        pltpu.sync_copy(logits_hbm.at[pl.ds(base, rpw)], rows_v)

        def body(r, carry):
            row = rows_v[r]
            s = row * (1.0 / _TAU)
            e = jnp.exp(s - jnp.max(s))
            p = e / jnp.sum(e)
            lane = lax.iota(jnp.int32, 16)
            sk, sv = plsc.sort_key_val(p, lane, descending=True)
            cs = plsc.cumsum(sk)
            keep = (cs <= _TOP_P) | (lane < _MIN_K)
            masked = jnp.where(keep, sk, 0.0)
            den = jnp.maximum(jnp.sum(masked), 1e-10)
            vals = masked / den
            plsc.store_scatter(out_v,
                               [jnp.full((16,), r, jnp.int32), sv], vals)
            return carry

        lax.fori_loop(0, rpw, body, 0)
        pltpu.sync_copy(out_v, out_hbm.at[pl.ds(base, rpw)])

    return route(logits)


def kernel(patch, conv_w, conv_b, fc_w, fc_b, layer_idx, threshold):
    logits = _gate(patch, conv_w, conv_b, fc_w, fc_b)
    return _route_sc(logits)

# --- scband reference (transcript-rebuilt; emitter-appended) ---
"""Pipeline reference for scband-router-7284264534081 (READ-ONLY COPY).

The authoritative reference and input builder live on the scoring server;
editing this copy changes nothing except your own understanding.
"""

import jax, jax.numpy as jnp
import numpy as np


def setup_inputs(seed: int = 0) -> dict:
    key = jax.random.key(seed)
    k1, k2, k3, k4 = jax.random.split(key, 4)
    patch = jax.random.normal(k1, (4096, 196, 8, 8), dtype=jnp.float32)
    conv_w = jax.random.normal(k2, (128, 196), dtype=jnp.float32) * (1.0 / np.sqrt(196))
    conv_b = jnp.zeros((128,), dtype=jnp.float32)
    fc_w = jax.random.normal(k3, (16, 128), dtype=jnp.float32) * (1.0 / np.sqrt(128))
    fc_b = jnp.zeros((16,), dtype=jnp.float32)
    return {"patch": patch, "conv_w": conv_w, "conv_b": conv_b, "fc_w": fc_w, "fc_b": fc_b, "layer_idx": 0, "threshold": 0}


def _top_p_mask(weights, p, min_k):
    # sort descending
    idx = jnp.argsort(-weights, axis=-1)
    w_sorted = jnp.take_along_axis(weights, idx, axis=-1)
    cumsum = jnp.cumsum(w_sorted, axis=-1)
    rank = jnp.arange(weights.shape[-1]).reshape((1,) * (weights.ndim - 1) + (-1,))
    keep_sorted = ((cumsum <= p) | (rank < min_k)).astype(weights.dtype)
    # scatter keep flags back to original expert positions (inverse permutation)
    inv = jnp.argsort(idx, axis=-1)
    mask = jnp.take_along_axis(keep_sorted, inv, axis=-1)
    return mask


def reference(patch, conv_w, conv_b, fc_w, fc_b, layer_idx, threshold):
    # RouterGate(in_channels=196, proj_channel=128, num_experts=16):
    # 1x1 conv projection -> ReLU -> global avg pool -> linear to expert logits
    x = jnp.einsum('bchw,oc->bohw', patch, conv_w) + conv_b[None, :, None, None]
    x = jax.nn.relu(x)
    pooled = jnp.mean(x, axis=(2, 3))
    logits = pooled @ fc_w.T + fc_b
    # eval-mode routing (validation_mode): tau=0.9, top-p=0.8, min_k=1
    val_tau = 0.9
    val_p = 0.8
    probs = jax.nn.softmax(logits / val_tau, axis=-1)
    mask = _top_p_mask(probs, val_p, 1)
    masked = probs * mask
    denom = jnp.clip(jnp.sum(masked, axis=-1, keepdims=True), 1e-10, None)
    weights_norm = masked / denom
    return weights_norm

if __name__ == "__main__":
    import jax
    _d = setup_inputs()
    print(jax.jit(kernel)(*tuple(_d.values())))

</pallas_src>

<mosaic_0001>
#map = affine_map<(d0, d1) -> (0, 0)>
module attributes {stable_mosaic.version = 14 : i64} {
  func.func @route(%arg0: i32, %arg1: i32, %arg2: memref<4096x16xf32, #tpu.memory_space<hbm>>, %arg3: memref<4096x16xf32, #tpu.memory_space<hbm>>, %arg4: memref<128x16xf32, #tpu.memory_space<vmem>>, %arg5: memref<128x16xf32, #tpu.memory_space<vmem>>) attributes {dimension_semantics = [#tpu.dimension_semantics<core_parallel>, #tpu.dimension_semantics<subcore_parallel>], iteration_bounds = array<i64: 2, 16>, scalar_prefetch = 0 : i64, scratch_operands = 2 : i64, tpu.core_type = #tpu.core_type<sc_vector_subcore>, window_params = [{transform_indices = #map}, {transform_indices = #map}]} {
    %mul3A = arith.constant 2 : i32
    %mul3A_0 = arith.muli %arg1, %mul3A : i32
    %add3A = arith.addi %mul3A_0, %arg0 : i32
    %mul3A_1 = arith.constant 128 : i32
    %mul3A_2 = arith.muli %add3A, %mul3A_1 : i32
    "tpu.region"() ({
      %run_scoped3A = tpu.sem_alloc : memref<!tpu.dma_semaphore, #tpu.memory_space<semaphore_mem>>
      %dma_start3A = arith.constant 0 : i32
      %dma_start3A_8 = tpu.memref_slice %arg2[%mul3A_2, %dma_start3A] : memref<4096x16xf32, #tpu.memory_space<hbm>> -> memref<128x16xf32, #tpu.memory_space<hbm>>
      %dma_start3A_9 = arith.constant 0 : i32
      %dma_start3A_10 = tpu.memref_slice %arg2[%mul3A_2, %dma_start3A_9] : memref<4096x16xf32, #tpu.memory_space<hbm>> -> memref<128x16xf32, #tpu.memory_space<hbm>>
      tpu.enqueue_dma source(%dma_start3A_10 : memref<128x16xf32, #tpu.memory_space<hbm>>) target(%arg4 : memref<128x16xf32, #tpu.memory_space<vmem>>) target_semaphore(%run_scoped3A : memref<!tpu.dma_semaphore, #tpu.memory_space<semaphore_mem>>)
      %dma_wait3A = arith.constant 0 : i32
      %dma_wait3A_11 = tpu.memref_slice %arg2[%mul3A_2, %dma_wait3A] : memref<4096x16xf32, #tpu.memory_space<hbm>> -> memref<128x16xf32, #tpu.memory_space<hbm>>
      %dma_wait3A_12 = arith.constant 0 : i32
      %dma_wait3A_13 = tpu.memref_slice %arg2[%mul3A_2, %dma_wait3A_12] : memref<4096x16xf32, #tpu.memory_space<hbm>> -> memref<128x16xf32, #tpu.memory_space<hbm>>
      tpu.wait_dma2 semaphore(%run_scoped3A : memref<!tpu.dma_semaphore, #tpu.memory_space<semaphore_mem>>) src(%dma_wait3A_13 : memref<128x16xf32, #tpu.memory_space<hbm>>) dst(%arg4 : memref<128x16xf32, #tpu.memory_space<vmem>>)
      tpu.yield
    }) : () -> ()
    %scan3A = arith.constant 0 : i32
    %scan3A_3 = arith.constant 0 : i32
    %scan3A_4 = arith.constant 128 : i32
    %scan3A_5 = arith.addi %scan3A_3, %scan3A_4 : i32
    %scan3A_6 = arith.constant 1 : i32
    scf.for %scan3A_8 = %scan3A_3 to %scan3A_5 step %scan3A_6  : i32 {
      %get3A = arith.index_cast %scan3A_8 : i32 to index
      %get3A_9 = arith.constant 0 : index
      %get3A_10 = tpu.vector_load %arg4[%get3A, %get3A_9] {strides = array<i32>} : memref<128x16xf32, #tpu.memory_space<vmem>>, vector<16xf32>,
      %mul3A_11 = arith.constant 1.11111116 : f32
      %mul3A_12 = vector.broadcast %mul3A_11 : f32 to vector<16xf32>
      %mul3A_13 = arith.mulf %get3A_10, %mul3A_12 : vector<16xf32>
      %reduce_max3A = arith.constant true
      %reduce_max3A_14 = vector.broadcast %reduce_max3A : i1 to vector<16xi1>
      %reduce_max3A_15 = tpu.scan <max>, %mul3A_13 masked %reduce_max3A_14 : vector<16xf32>, vector<16xi1> -> vector<16xf32>
      %reduce_max3A_16 = vector.extract %reduce_max3A_15[15] : f32 from vector<16xf32>
      %sub3A = vector.broadcast %reduce_max3A_16 : f32 to vector<16xf32>
      %sub3A_17 = arith.subf %mul3A_13, %sub3A : vector<16xf32>
      %exp3A = math.exp %sub3A_17 : vector<16xf32>
      %reduce_sum3A = arith.constant true
      %reduce_sum3A_18 = vector.broadcast %reduce_sum3A : i1 to vector<16xi1>
      %reduce_sum3A_19 = tpu.scan <sum>, %exp3A masked %reduce_sum3A_18 : vector<16xf32>, vector<16xi1> -> vector<16xf32>
      %reduce_sum3A_20 = vector.extract %reduce_sum3A_19[15] : f32 from vector<16xf32>
      %div3A = vector.broadcast %reduce_sum3A_20 : f32 to vector<16xf32>
      %div3A_21 = arith.divf %exp3A, %div3A : vector<16xf32>
      %iota3A = tpu.iota {dimensions = array<i32: 0>} : vector<16xi32>
      %masked_sort3A = arith.constant dense<true> : vector<16xi1>
      %masked_sort3A_22, %masked_sort3A_23, %masked_sort3A_24 = tpu.sort %div3A_21, %iota3A masked %masked_sort3A {descending = true} : (vector<16xf32>, vector<16xi32>, vector<16xi1>) -> (vector<16xi1>, vector<16xf32>, vector<16xi32>)
      %broadcast_in_dim3A = arith.constant true
      %broadcast_in_dim3A_25 = vector.broadcast %broadcast_in_dim3A : i1 to vector<16xi1>
      %masked_cumsum3A = tpu.scan <sum>, %masked_sort3A_23 masked %broadcast_in_dim3A_25 : vector<16xf32>, vector<16xi1> -> vector<16xf32>
      %le3A = arith.constant 8.000000e-01 : f32
      %le3A_26 = vector.broadcast %le3A : f32 to vector<16xf32>
      %le3A_27 = arith.cmpf ole, %masked_cumsum3A, %le3A_26 : vector<16xf32>
      %lt3A = arith.constant 1 : i32
      %lt3A_28 = vector.broadcast %lt3A : i32 to vector<16xi32>
      %lt3A_29 = arith.cmpi slt, %iota3A, %lt3A_28 : vector<16xi32>
      %or3A = arith.ori %le3A_27, %lt3A_29 : vector<16xi1>
      %jit3A = arith.constant 0.000000e+00 : f32
      %broadcast_in_dim3A_30 = vector.broadcast %jit3A : f32 to vector<16xf32>
      %select_n3A = arith.select %or3A, %masked_sort3A_23, %broadcast_in_dim3A_30 : vector<16xi1>, vector<16xf32>
      %reduce_sum3A_31 = arith.constant true
      %reduce_sum3A_32 = vector.broadcast %reduce_sum3A_31 : i1 to vector<16xi1>
      %reduce_sum3A_33 = tpu.scan <sum>, %select_n3A masked %reduce_sum3A_32 : vector<16xf32>, vector<16xi1> -> vector<16xf32>
      %reduce_sum3A_34 = vector.extract %reduce_sum3A_33[15] : f32 from vector<16xf32>
      %max3A = arith.constant 1.000000e-10 : f32
      %max3A_35 = arith.maximumf %reduce_sum3A_34, %max3A : f32
      %div3A_36 = vector.broadcast %max3A_35 : f32 to vector<16xf32>
      %div3A_37 = arith.divf %select_n3A, %div3A_36 : vector<16xf32>
      %broadcast_in_dim3A_38 = vector.broadcast %scan3A_8 : i32 to vector<16xi32>
      tpu.vector_store_idx %arg5[%broadcast_in_dim3A_38, %masked_sort3A_24], %div3A_37 : memref<128x16xf32, #tpu.memory_space<vmem>>[vector<16xi32>, vector<16xi32>], vector<16xf32>,
    }
    %scan3A_7 = arith.constant 128 : i32
    "tpu.region"() ({
      %run_scoped3A = tpu.sem_alloc : memref<!tpu.dma_semaphore, #tpu.memory_space<semaphore_mem>>
      %dma_start3A = arith.constant 0 : i32
      %dma_start3A_8 = tpu.memref_slice %arg3[%mul3A_2, %dma_start3A] : memref<4096x16xf32, #tpu.memory_space<hbm>> -> memref<128x16xf32, #tpu.memory_space<hbm>>
      %dma_start3A_9 = arith.constant 0 : i32
      %dma_start3A_10 = tpu.memref_slice %arg3[%mul3A_2, %dma_start3A_9] : memref<4096x16xf32, #tpu.memory_space<hbm>> -> memref<128x16xf32, #tpu.memory_space<hbm>>
      tpu.enqueue_dma source(%arg5 : memref<128x16xf32, #tpu.memory_space<vmem>>) target(%dma_start3A_10 : memref<128x16xf32, #tpu.memory_space<hbm>>) target_semaphore(%run_scoped3A : memref<!tpu.dma_semaphore, #tpu.memory_space<semaphore_mem>>)
      %dma_wait3A = arith.constant 0 : i32
      %dma_wait3A_11 = tpu.memref_slice %arg3[%mul3A_2, %dma_wait3A] : memref<4096x16xf32, #tpu.memory_space<hbm>> -> memref<128x16xf32, #tpu.memory_space<hbm>>
      %dma_wait3A_12 = arith.constant 0 : i32
      %dma_wait3A_13 = tpu.memref_slice %arg3[%mul3A_2, %dma_wait3A_12] : memref<4096x16xf32, #tpu.memory_space<hbm>> -> memref<128x16xf32, #tpu.memory_space<hbm>>
      tpu.wait_dma2 semaphore(%run_scoped3A : memref<!tpu.dma_semaphore, #tpu.memory_space<semaphore_mem>>) src(%arg5 : memref<128x16xf32, #tpu.memory_space<vmem>>) dst(%dma_wait3A_13 : memref<128x16xf32, #tpu.memory_space<hbm>>)
      tpu.yield
    }) : () -> ()
    return
  }
}

module attributes {stable_mosaic.version = 14 : i64} {
  func.func @_gate_body(%arg0: i32, %arg1: memref<4096x98x128xf32, #tpu.memory_space<hbm>>, %arg2: memref<98x128xf32, #tpu.memory_space<vmem>>, %arg3: memref<98x128xf32, #tpu.memory_space<vmem>>, %arg4: memref<1x128xf32, #tpu.memory_space<vmem>>, %arg5: memref<128x16xf32, #tpu.memory_space<vmem>>, %arg6: memref<1x16xf32, #tpu.memory_space<vmem>>, %arg7: memref<128x16xf32, #tpu.memory_space<vmem>>, %arg8: memref<2x128x98x128xf32, #tpu.memory_space<vmem>>, %arg9: memref<2x4x!tpu.dma_semaphore, #tpu.memory_space<semaphore_mem>>) attributes {dimension_semantics = [#tpu.dimension_semantics<arbitrary>], iteration_bounds = array<i64: 32>, scalar_prefetch = 0 : i64, scratch_operands = 2 : i64, tpu.core_type = #tpu.core_type<tc>, window_params = [{}, {pipeline_mode = #tpu.pipeline_mode<synchronous>, transform_indices = @transform_1, window_bounds = array<i64: 98, 128>}, {pipeline_mode = #tpu.pipeline_mode<synchronous>, transform_indices = @transform_2, window_bounds = array<i64: 98, 128>}, {pipeline_mode = #tpu.pipeline_mode<synchronous>, transform_indices = @transform_3, window_bounds = array<i64: 1, 128>}, {pipeline_mode = #tpu.pipeline_mode<synchronous>, transform_indices = @transform_4, window_bounds = array<i64: 128, 16>}, {pipeline_mode = #tpu.pipeline_mode<synchronous>, transform_indices = @transform_5, window_bounds = array<i64: 1, 16>}, {transform_indices = @transform_6, window_bounds = array<i64: 128, 16>}]} {
    %eq3A = arith.constant 0 : i32
    %eq3A_0 = arith.cmpi eq, %arg0, %eq3A : i32
    %convert_element_type3A = arith.extui %eq3A_0 : i1 to i32
    %cond3A = arith.constant 0 : i32
    %cond3A_1 = arith.cmpi ne, %convert_element_type3A, %cond3A : i32
    scf.if %cond3A_1 {
      %dma_start3A = arith.constant 0 : i32
      %dma_start3A_114 = arith.constant 0 : i32
      %dma_start3A_115 = arith.constant 0 : i32
      %dma_start3A_116 = tpu.memref_slice %arg9[%dma_start3A_114, %dma_start3A_115] : memref<2x4x!tpu.dma_semaphore, #tpu.memory_space<semaphore_mem>> -> memref<1x1x!tpu.dma_semaphore, #tpu.memory_space<semaphore_mem>>
      %dma_start3A_117 = tpu.memref_squeeze %dma_start3A_116 : memref<1x1x!tpu.dma_semaphore, #tpu.memory_space<semaphore_mem>> -> memref<!tpu.dma_semaphore, #tpu.memory_space<semaphore_mem>>
      %dma_start3A_118 = arith.constant 0 : i32
      %dma_start3A_119 = arith.constant 0 : i32
      %dma_start3A_120 = arith.constant 0 : i32
      %dma_start3A_121 = tpu.memref_slice %arg8[%dma_start3A, %dma_start3A_118, %dma_start3A_119, %dma_start3A_120] : memref<2x128x98x128xf32, #tpu.memory_space<vmem>> -> memref<1x32x98x128xf32, #tpu.memory_space<vmem>>
      %dma_start3A_122 = tpu.memref_squeeze %dma_start3A_121 : memref<1x32x98x128xf32, #tpu.memory_space<vmem>> -> memref<32x98x128xf32, #tpu.memory_space<vmem>>
      %dma_start3A_123 = arith.constant 0 : i32
      %dma_start3A_124 = arith.constant 0 : i32
      %dma_start3A_125 = arith.constant 0 : i32
      %dma_start3A_126 = tpu.memref_slice %arg1[%dma_start3A_123, %dma_start3A_124, %dma_start3A_125] : memref<4096x98x128xf32, #tpu.memory_space<hbm>> -> memref<32x98x128xf32, #tpu.memory_space<hbm>>
      tpu.enqueue_dma source(%dma_start3A_126 : memref<32x98x128xf32, #tpu.memory_space<hbm>>) target(%dma_start3A_122 : memref<32x98x128xf32, #tpu.memory_space<vmem>>) target_semaphore(%dma_start3A_117 : memref<!tpu.dma_semaphore, #tpu.memory_space<semaphore_mem>>)
      %dma_start3A_127 = arith.constant 0 : i32
      %dma_start3A_128 = arith.constant 0 : i32
      %dma_start3A_129 = arith.constant 1 : i32
      %dma_start3A_130 = tpu.memref_slice %arg9[%dma_start3A_128, %dma_start3A_129] : memref<2x4x!tpu.dma_semaphore, #tpu.memory_space<semaphore_mem>> -> memref<1x1x!tpu.dma_semaphore, #tpu.memory_space<semaphore_mem>>
      %dma_start3A_131 = tpu.memref_squeeze %dma_start3A_130 : memref<1x1x!tpu.dma_semaphore, #tpu.memory_space<semaphore_mem>> -> memref<!tpu.dma_semaphore, #tpu.memory_space<semaphore_mem>>
      %dma_start3A_132 = arith.constant 32 : i32
      %dma_start3A_133 = arith.constant 0 : i32
      %dma_start3A_134 = arith.constant 0 : i32
      %dma_start3A_135 = tpu.memref_slice %arg8[%dma_start3A_127, %dma_start3A_132, %dma_start3A_133, %dma_start3A_134] : memref<2x128x98x128xf32, #tpu.memory_space<vmem>> -> memref<1x32x98x128xf32, #tpu.memory_space<vmem>>
      %dma_start3A_136 = tpu.memref_squeeze %dma_start3A_135 : memref<1x32x98x128xf32, #tpu.memory_space<vmem>> -> memref<32x98x128xf32, #tpu.memory_space<vmem>>
      %dma_start3A_137 = arith.constant 32 : i32
      %dma_start3A_138 = arith.constant 0 : i32
      %dma_start3A_139 = arith.constant 0 : i32
      %dma_start3A_140 = tpu.memref_slice %arg1[%dma_start3A_137, %dma_start3A_138, %dma_start3A_139] : memref<4096x98x128xf32, #tpu.memory_space<hbm>> -> memref<32x98x128xf32, #tpu.memory_space<hbm>>
      tpu.enqueue_dma source(%dma_start3A_140 : memref<32x98x128xf32, #tpu.memory_space<hbm>>) target(%dma_start3A_136 : memref<32x98x128xf32, #tpu.memory_space<vmem>>) target_semaphore(%dma_start3A_131 : memref<!tpu.dma_semaphore, #tpu.memory_space<semaphore_mem>>)
      %dma_start3A_141 = arith.constant 0 : i32
      %dma_start3A_142 = arith.constant 0 : i32
      %dma_start3A_143 = arith.constant 2 : i32
      %dma_start3A_144 = tpu.memref_slice %arg9[%dma_start3A_142, %dma_start3A_143] : memref<2x4x!tpu.dma_semaphore, #tpu.memory_space<semaphore_mem>> -> memref<1x1x!tpu.dma_semaphore, #tpu.memory_space<semaphore_mem>>
      %dma_start3A_145 = tpu.memref_squeeze %dma_start3A_144 : memref<1x1x!tpu.dma_semaphore, #tpu.memory_space<semaphore_mem>> -> memref<!tpu.dma_semaphore, #tpu.memory_space<semaphore_mem>>
      %dma_start3A_146 = arith.constant 64 : i32
      %dma_start3A_147 = arith.constant 0 : i32
      %dma_start3A_148 = arith.constant 0 : i32
      %dma_start3A_149 = tpu.memref_slice %arg8[%dma_start3A_141, %dma_start3A_146, %dma_start3A_147, %dma_start3A_148] : memref<2x128x98x128xf32, #tpu.memory_space<vmem>> -> memref<1x32x98x128xf32, #tpu.memory_space<vmem>>
      %dma_start3A_150 = tpu.memref_squeeze %dma_start3A_149 : memref<1x32x98x128xf32, #tpu.memory_space<vmem>> -> memref<32x98x128xf32, #tpu.memory_space<vmem>>
      %dma_start3A_151 = arith.constant 64 : i32
      %dma_start3A_152 = arith.constant 0 : i32
      %dma_start3A_153 = arith.constant 0 : i32
      %dma_start3A_154 = tpu.memref_slice %arg1[%dma_start3A_151, %dma_start3A_152, %dma_start3A_153] : memref<4096x98x128xf32, #tpu.memory_space<hbm>> -> memref<32x98x128xf32, #tpu.memory_space<hbm>>
      tpu.enqueue_dma source(%dma_start3A_154 : memref<32x98x128xf32, #tpu.memory_space<hbm>>) target(%dma_start3A_150 : memref<32x98x128xf32, #tpu.memory_space<vmem>>) target_semaphore(%dma_start3A_145 : memref<!tpu.dma_semaphore, #tpu.memory_space<semaphore_mem>>)
      %dma_start3A_155 = arith.constant 0 : i32
      %dma_start3A_156 = arith.constant 0 : i32
      %dma_start3A_157 = arith.constant 3 : i32
      %dma_start3A_158 = tpu.memref_slice %arg9[%dma_start3A_156, %dma_start3A_157] : memref<2x4x!tpu.dma_semaphore, #tpu.memory_space<semaphore_mem>> -> memref<1x1x!tpu.dma_semaphore, #tpu.memory_space<semaphore_mem>>
      %dma_start3A_159 = tpu.memref_squeeze %dma_start3A_158 : memref<1x1x!tpu.dma_semaphore, #tpu.memory_space<semaphore_mem>> -> memref<!tpu.dma_semaphore, #tpu.memory_space<semaphore_mem>>
      %dma_start3A_160 = arith.constant 96 : i32
      %dma_start3A_161 = arith.constant 0 : i32
      %dma_start3A_162 = arith.constant 0 : i32
      %dma_start3A_163 = tpu.memref_slice %arg8[%dma_start3A_155, %dma_start3A_160, %dma_start3A_161, %dma_start3A_162] : memref<2x128x98x128xf32, #tpu.memory_space<vmem>> -> memref<1x32x98x128xf32, #tpu.memory_space<vmem>>
      %dma_start3A_164 = tpu.memref_squeeze %dma_start3A_163 : memref<1x32x98x128xf32, #tpu.memory_space<vmem>> -> memref<32x98x128xf32, #tpu.memory_space<vmem>>
      %dma_start3A_165 = arith.constant 96 : i32
      %dma_start3A_166 = arith.constant 0 : i32
      %dma_start3A_167 = arith.constant 0 : i32
      %dma_start3A_168 = tpu.memref_slice %arg1[%dma_start3A_165, %dma_start3A_166, %dma_start3A_167] : memref<4096x98x128xf32, #tpu.memory_space<hbm>> -> memref<32x98x128xf32, #tpu.memory_space<hbm>>
      tpu.enqueue_dma source(%dma_start3A_168 : memref<32x98x128xf32, #tpu.memory_space<hbm>>) target(%dma_start3A_164 : memref<32x98x128xf32, #tpu.memory_space<vmem>>) target_semaphore(%dma_start3A_159 : memref<!tpu.dma_semaphore, #tpu.memory_space<semaphore_mem>>)
    } else {
    }
    %add3A = arith.constant 1 : i32
    %add3A_2 = arith.addi %arg0, %add3A : i32
    %lt3A = arith.constant 32 : i32
    %lt3A_3 = arith.cmpi slt, %add3A_2, %lt3A : i32
    %convert_element_type3A_4 = arith.extui %lt3A_3 : i1 to i32
    %cond3A_5 = arith.constant 0 : i32
    %cond3A_6 = arith.cmpi ne, %convert_element_type3A_4, %cond3A_5 : i32
    scf.if %cond3A_6 {
      %add3A_114 = arith.constant 1 : i32
      %add3A_115 = arith.addi %arg0, %add3A_114 : i32
      %add3A_116 = arith.constant 1 : i32
      %add3A_117 = arith.addi %arg0, %add3A_116 : i32
      %jit3A_118 = arith.constant 2 : i32
      %eq3A_119 = arith.constant 0 : i32
      %eq3A_120 = arith.cmpi eq, %jit3A_118, %eq3A_119 : i32
      %jit3A_121 = arith.constant 1 : i32
      %select_n3A_122 = arith.select %eq3A_120, %jit3A_121, %jit3A_118 : i32
      %rem3A_123 = arith.remsi %add3A_117, %select_n3A_122 : i32
      %ne3A_124 = arith.constant 0 : i32
      %ne3A_125 = arith.cmpi ne, %rem3A_123, %ne3A_124 : i32
      %lt3A_126 = arith.constant 0 : i32
      %lt3A_127 = arith.cmpi slt, %rem3A_123, %lt3A_126 : i32
      %lt3A_128 = arith.constant 0 : i32
      %lt3A_129 = arith.cmpi slt, %select_n3A_122, %lt3A_128 : i32
      %ne3A_130 = arith.xori %lt3A_127, %lt3A_129 : i1
      %and3A_131 = arith.andi %ne3A_130, %ne3A_125 : i1
      %add3A_132 = arith.addi %rem3A_123, %select_n3A_122 : i32
      %select_n3A_133 = arith.select %and3A_131, %add3A_132, %rem3A_123 : i32
      %mul3A_134 = arith.constant 128 : i32
      %mul3A_135 = arith.muli %add3A_115, %mul3A_134 : i32
      %add3A_136 = arith.constant 0 : i32
      %add3A_137 = arith.addi %mul3A_135, %add3A_136 : i32
      %dma_start3A = arith.constant 0 : i32
      %dma_start3A_138 = tpu.memref_slice %arg9[%select_n3A_133, %dma_start3A] : memref<2x4x!tpu.dma_semaphore, #tpu.memory_space<semaphore_mem>> -> memref<1x1x!tpu.dma_semaphore, #tpu.memory_space<semaphore_mem>>
      %dma_start3A_139 = tpu.memref_squeeze %dma_start3A_138 : memref<1x1x!tpu.dma_semaphore, #tpu.memory_space<semaphore_mem>> -> memref<!tpu.dma_semaphore, #tpu.memory_space<semaphore_mem>>
      %dma_start3A_140 = arith.constant 0 : i32
      %dma_start3A_141 = arith.constant 0 : i32
      %dma_start3A_142 = arith.constant 0 : i32
      %dma_start3A_143 = tpu.memref_slice %arg8[%select_n3A_133, %dma_start3A_140, %dma_start3A_141, %dma_start3A_142] : memref<2x128x98x128xf32, #tpu.memory_space<vmem>> -> memref<1x32x98x128xf32, #tpu.memory_space<vmem>>
      %dma_start3A_144 = tpu.memref_squeeze %dma_start3A_143 : memref<1x32x98x128xf32, #tpu.memory_space<vmem>> -> memref<32x98x128xf32, #tpu.memory_space<vmem>>
      %dma_start3A_145 = arith.constant 0 : i32
      %dma_start3A_146 = arith.constant 0 : i32
      %dma_start3A_147 = tpu.memref_slice %arg1[%add3A_137, %dma_start3A_145, %dma_start3A_146] : memref<4096x98x128xf32, #tpu.memory_space<hbm>> -> memref<32x98x128xf32, #tpu.memory_space<hbm>>
      tpu.enqueue_dma source(%dma_start3A_147 : memref<32x98x128xf32, #tpu.memory_space<hbm>>) target(%dma_start3A_144 : memref<32x98x128xf32, #tpu.memory_space<vmem>>) target_semaphore(%dma_start3A_139 : memref<!tpu.dma_semaphore, #tpu.memory_space<semaphore_mem>>)
      %add3A_148 = arith.constant 32 : i32
      %add3A_149 = arith.addi %mul3A_135, %add3A_148 : i32
      %dma_start3A_150 = arith.constant 1 : i32
      %dma_start3A_151 = tpu.memref_slice %arg9[%select_n3A_133, %dma_start3A_150] : memref<2x4x!tpu.dma_semaphore, #tpu.memory_space<semaphore_mem>> -> memref<1x1x!tpu.dma_semaphore, #tpu.memory_space<semaphore_mem>>
      %dma_start3A_152 = tpu.memref_squeeze %dma_start3A_151 : memref<1x1x!tpu.dma_semaphore, #tpu.memory_space<semaphore_mem>> -> memref<!tpu.dma_semaphore, #tpu.memory_space<semaphore_mem>>
      %dma_start3A_153 = arith.constant 32 : i32
      %dma_start3A_154 = arith.constant 0 : i32
      %dma_start3A_155 = arith.constant 0 : i32
      %dma_start3A_156 = tpu.memref_slice %arg8[%select_n3A_133, %dma_start3A_153, %dma_start3A_154, %dma_start3A_155] : memref<2x128x98x128xf32, #tpu.memory_space<vmem>> -> memref<1x32x98x128xf32, #tpu.memory_space<vmem>>
      %dma_start3A_157 = tpu.memref_squeeze %dma_start3A_156 : memref<1x32x98x128xf32, #tpu.memory_space<vmem>> -> memref<32x98x128xf32, #tpu.memory_space<vmem>>
      %dma_start3A_158 = arith.constant 0 : i32
      %dma_start3A_159 = arith.constant 0 : i32
      %dma_start3A_160 = tpu.memref_slice %arg1[%add3A_149, %dma_start3A_158, %dma_start3A_159] : memref<4096x98x128xf32, #tpu.memory_space<hbm>> -> memref<32x98x128xf32, #tpu.memory_space<hbm>>
      tpu.enqueue_dma source(%dma_start3A_160 : memref<32x98x128xf32, #tpu.memory_space<hbm>>) target(%dma_start3A_157 : memref<32x98x128xf32, #tpu.memory_space<vmem>>) target_semaphore(%dma_start3A_152 : memref<!tpu.dma_semaphore, #tpu.memory_space<semaphore_mem>>)
      %add3A_161 = arith.constant 64 : i32
      %add3A_162 = arith.addi %mul3A_135, %add3A_161 : i32
      %dma_start3A_163 = arith.constant 2 : i32
      %dma_start3A_164 = tpu.memref_slice %arg9[%select_n3A_133, %dma_start3A_163] : memref<2x4x!tpu.dma_semaphore, #tpu.memory_space<semaphore_mem>> -> memref<1x1x!tpu.dma_semaphore, #tpu.memory_space<semaphore_mem>>
      %dma_start3A_165 = tpu.memref_squeeze %dma_start3A_164 : memref<1x1x!tpu.dma_semaphore, #tpu.memory_space<semaphore_mem>> -> memref<!tpu.dma_semaphore, #tpu.memory_space<semaphore_mem>>
      %dma_start3A_166 = arith.constant 64 : i32
      %dma_start3A_167 = arith.constant 0 : i32
      %dma_start3A_168 = arith.constant 0 : i32
      %dma_start3A_169 = tpu.memref_slice %arg8[%select_n3A_133, %dma_start3A_166, %dma_start3A_167, %dma_start3A_168] : memref<2x128x98x128xf32, #tpu.memory_space<vmem>> -> memref<1x32x98x128xf32, #tpu.memory_space<vmem>>
      %dma_start3A_170 = tpu.memref_squeeze %dma_start3A_169 : memref<1x32x98x128xf32, #tpu.memory_space<vmem>> -> memref<32x98x128xf32, #tpu.memory_space<vmem>>
      %dma_start3A_171 = arith.constant 0 : i32
      %dma_start3A_172 = arith.constant 0 : i32
      %dma_start3A_173 = tpu.memref_slice %arg1[%add3A_162, %dma_start3A_171, %dma_start3A_172] : memref<4096x98x128xf32, #tpu.memory_space<hbm>> -> memref<32x98x128xf32, #tpu.memory_space<hbm>>
      tpu.enqueue_dma source(%dma_start3A_173 : memref<32x98x128xf32, #tpu.memory_space<hbm>>) target(%dma_start3A_170 : memref<32x98x128xf32, #tpu.memory_space<vmem>>) target_semaphore(%dma_start3A_165 : memref<!tpu.dma_semaphore, #tpu.memory_space<semaphore_mem>>)
      %add3A_174 = arith.constant 96 : i32
      %add3A_175 = arith.addi %mul3A_135, %add3A_174 : i32
      %dma_start3A_176 = arith.constant 3 : i32
      %dma_start3A_177 = tpu.memref_slice %arg9[%select_n3A_133, %dma_start3A_176] : memref<2x4x!tpu.dma_semaphore, #tpu.memory_space<semaphore_mem>> -> memref<1x1x!tpu.dma_semaphore, #tpu.memory_space<semaphore_mem>>
      %dma_start3A_178 = tpu.memref_squeeze %dma_start3A_177 : memref<1x1x!tpu.dma_semaphore, #tpu.memory_space<semaphore_mem>> -> memref<!tpu.dma_semaphore, #tpu.memory_space<semaphore_mem>>
      %dma_start3A_179 = arith.constant 96 : i32
      %dma_start3A_180 = arith.constant 0 : i32
      %dma_start3A_181 = arith.constant 0 : i32
      %dma_start3A_182 = tpu.memref_slice %arg8[%select_n3A_133, %dma_start3A_179, %dma_start3A_180, %dma_start3A_181] : memref<2x128x98x128xf32, #tpu.memory_space<vmem>> -> memref<1x32x98x128xf32, #tpu.memory_space<vmem>>
      %dma_start3A_183 = tpu.memref_squeeze %dma_start3A_182 : memref<1x32x98x128xf32, #tpu.memory_space<vmem>> -> memref<32x98x128xf32, #tpu.memory_space<vmem>>
      %dma_start3A_184 = arith.constant 0 : i32
      %dma_start3A_185 = arith.constant 0 : i32
      %dma_start3A_186 = tpu.memref_slice %arg1[%add3A_175, %dma_start3A_184, %dma_start3A_185] : memref<4096x98x128xf32, #tpu.memory_space<hbm>> -> memref<32x98x128xf32, #tpu.memory_space<hbm>>
      tpu.enqueue_dma source(%dma_start3A_186 : memref<32x98x128xf32, #tpu.memory_space<hbm>>) target(%dma_start3A_183 : memref<32x98x128xf32, #tpu.memory_space<vmem>>) target_semaphore(%dma_start3A_178 : memref<!tpu.dma_semaphore, #tpu.memory_space<semaphore_mem>>)
    } else {
    }
    %jit3A = arith.constant 2 : i32
    %eq3A_7 = arith.constant 0 : i32
    %eq3A_8 = arith.cmpi eq, %jit3A, %eq3A_7 : i32
    %jit3A_9 = arith.constant 1 : i32
    %select_n3A = arith.select %eq3A_8, %jit3A_9, %jit3A : i32
    %rem3A = arith.remsi %arg0, %select_n3A : i32
    %ne3A = arith.constant 0 : i32
    %ne3A_10 = arith.cmpi ne, %rem3A, %ne3A : i32
    %lt3A_11 = arith.constant 0 : i32
    %lt3A_12 = arith.cmpi slt, %rem3A, %lt3A_11 : i32
    %lt3A_13 = arith.constant 0 : i32
    %lt3A_14 = arith.cmpi slt, %select_n3A, %lt3A_13 : i32
    %ne3A_15 = arith.xori %lt3A_12, %lt3A_14 : i1
    %and3A = arith.andi %ne3A_15, %ne3A_10 : i1
    %add3A_16 = arith.addi %rem3A, %select_n3A : i32
    %select_n3A_17 = arith.select %and3A, %add3A_16, %rem3A : i32
    %mul3A = arith.constant 128 : i32
    %mul3A_18 = arith.muli %arg0, %mul3A : i32
    %add3A_19 = arith.constant 0 : i32
    %add3A_20 = arith.addi %mul3A_18, %add3A_19 : i32
    %dma_wait3A = arith.constant 0 : i32
    %dma_wait3A_21 = tpu.memref_slice %arg9[%select_n3A_17, %dma_wait3A] : memref<2x4x!tpu.dma_semaphore, #tpu.memory_space<semaphore_mem>> -> memref<1x1x!tpu.dma_semaphore, #tpu.memory_space<semaphore_mem>>
    %dma_wait3A_22 = tpu.memref_squeeze %dma_wait3A_21 : memref<1x1x!tpu.dma_semaphore, #tpu.memory_space<semaphore_mem>> -> memref<!tpu.dma_semaphore, #tpu.memory_space<semaphore_mem>>
    %dma_wait3A_23 = arith.constant 0 : i32
    %dma_wait3A_24 = arith.constant 0 : i32
    %dma_wait3A_25 = arith.constant 0 : i32
    %dma_wait3A_26 = tpu.memref_slice %arg8[%select_n3A_17, %dma_wait3A_23, %dma_wait3A_24, %dma_wait3A_25] : memref<2x128x98x128xf32, #tpu.memory_space<vmem>> -> memref<1x32x98x128xf32, #tpu.memory_space<vmem>>
    %dma_wait3A_27 = tpu.memref_squeeze %dma_wait3A_26 : memref<1x32x98x128xf32, #tpu.memory_space<vmem>> -> memref<32x98x128xf32, #tpu.memory_space<vmem>>
    %dma_wait3A_28 = arith.constant 0 : i32
    %dma_wait3A_29 = arith.constant 0 : i32
    %dma_wait3A_30 = tpu.memref_slice %arg1[%add3A_20, %dma_wait3A_28, %dma_wait3A_29] : memref<4096x98x128xf32, #tpu.memory_space<hbm>> -> memref<32x98x128xf32, #tpu.memory_space<hbm>>
    tpu.wait_dma2 semaphore(%dma_wait3A_22 : memref<!tpu.dma_semaphore, #tpu.memory_space<semaphore_mem>>) src(%dma_wait3A_30 : memref<32x98x128xf32, #tpu.memory_space<hbm>>) dst(%dma_wait3A_27 : memref<32x98x128xf32, #tpu.memory_space<vmem>>)
    %mul3A_31 = arith.constant 128 : i32
    %mul3A_32 = arith.muli %arg0, %mul3A_31 : i32
    %add3A_33 = arith.constant 32 : i32
    %add3A_34 = arith.addi %mul3A_32, %add3A_33 : i32
    %dma_wait3A_35 = arith.constant 1 : i32
    %dma_wait3A_36 = tpu.memref_slice %arg9[%select_n3A_17, %dma_wait3A_35] : memref<2x4x!tpu.dma_semaphore, #tpu.memory_space<semaphore_mem>> -> memref<1x1x!tpu.dma_semaphore, #tpu.memory_space<semaphore_mem>>
    %dma_wait3A_37 = tpu.memref_squeeze %dma_wait3A_36 : memref<1x1x!tpu.dma_semaphore, #tpu.memory_space<semaphore_mem>> -> memref<!tpu.dma_semaphore, #tpu.memory_space<semaphore_mem>>
    %dma_wait3A_38 = arith.constant 32 : i32
    %dma_wait3A_39 = arith.constant 0 : i32
    %dma_wait3A_40 = arith.constant 0 : i32
    %dma_wait3A_41 = tpu.memref_slice %arg8[%select_n3A_17, %dma_wait3A_38, %dma_wait3A_39, %dma_wait3A_40] : memref<2x128x98x128xf32, #tpu.memory_space<vmem>> -> memref<1x32x98x128xf32, #tpu.memory_space<vmem>>
    %dma_wait3A_42 = tpu.memref_squeeze %dma_wait3A_41 : memref<1x32x98x128xf32, #tpu.memory_space<vmem>> -> memref<32x98x128xf32, #tpu.memory_space<vmem>>
    %dma_wait3A_43 = arith.constant 0 : i32
    %dma_wait3A_44 = arith.constant 0 : i32
    %dma_wait3A_45 = tpu.memref_slice %arg1[%add3A_34, %dma_wait3A_43, %dma_wait3A_44] : memref<4096x98x128xf32, #tpu.memory_space<hbm>> -> memref<32x98x128xf32, #tpu.memory_space<hbm>>
    tpu.wait_dma2 semaphore(%dma_wait3A_37 : memref<!tpu.dma_semaphore, #tpu.memory_space<semaphore_mem>>) src(%dma_wait3A_45 : memref<32x98x128xf32, #tpu.memory_space<hbm>>) dst(%dma_wait3A_42 : memref<32x98x128xf32, #tpu.memory_space<vmem>>)
    %mul3A_46 = arith.constant 128 : i32
    %mul3A_47 = arith.muli %arg0, %mul3A_46 : i32
    %add3A_48 = arith.constant 64 : i32
    %add3A_49 = arith.addi %mul3A_47, %add3A_48 : i32
    %dma_wait3A_50 = arith.constant 2 : i32
    %dma_wait3A_51 = tpu.memref_slice %arg9[%select_n3A_17, %dma_wait3A_50] : memref<2x4x!tpu.dma_semaphore, #tpu.memory_space<semaphore_mem>> -> memref<1x1x!tpu.dma_semaphore, #tpu.memory_space<semaphore_mem>>
    %dma_wait3A_52 = tpu.memref_squeeze %dma_wait3A_51 : memref<1x1x!tpu.dma_semaphore, #tpu.memory_space<semaphore_mem>> -> memref<!tpu.dma_semaphore, #tpu.memory_space<semaphore_mem>>
    %dma_wait3A_53 = arith.constant 64 : i32
    %dma_wait3A_54 = arith.constant 0 : i32
    %dma_wait3A_55 = arith.constant 0 : i32
    %dma_wait3A_56 = tpu.memref_slice %arg8[%select_n3A_17, %dma_wait3A_53, %dma_wait3A_54, %dma_wait3A_55] : memref<2x128x98x128xf32, #tpu.memory_space<vmem>> -> memref<1x32x98x128xf32, #tpu.memory_space<vmem>>
    %dma_wait3A_57 = tpu.memref_squeeze %dma_wait3A_56 : memref<1x32x98x128xf32, #tpu.memory_space<vmem>> -> memref<32x98x128xf32, #tpu.memory_space<vmem>>
    %dma_wait3A_58 = arith.constant 0 : i32
    %dma_wait3A_59 = arith.constant 0 : i32
    %dma_wait3A_60 = tpu.memref_slice %arg1[%add3A_49, %dma_wait3A_58, %dma_wait3A_59] : memref<4096x98x128xf32, #tpu.memory_space<hbm>> -> memref<32x98x128xf32, #tpu.memory_space<hbm>>
    tpu.wait_dma2 semaphore(%dma_wait3A_52 : memref<!tpu.dma_semaphore, #tpu.memory_space<semaphore_mem>>) src(%dma_wait3A_60 : memref<32x98x128xf32, #tpu.memory_space<hbm>>) dst(%dma_wait3A_57 : memref<32x98x128xf32, #tpu.memory_space<vmem>>)
    %mul3A_61 = arith.constant 128 : i32
    %mul3A_62 = arith.muli %arg0, %mul3A_61 : i32
    %add3A_63 = arith.constant 96 : i32
    %add3A_64 = arith.addi %mul3A_62, %add3A_63 : i32
    %dma_wait3A_65 = arith.constant 3 : i32
    %dma_wait3A_66 = tpu.memref_slice %arg9[%select_n3A_17, %dma_wait3A_65] : memref<2x4x!tpu.dma_semaphore, #tpu.memory_space<semaphore_mem>> -> memref<1x1x!tpu.dma_semaphore, #tpu.memory_space<semaphore_mem>>
    %dma_wait3A_67 = tpu.memref_squeeze %dma_wait3A_66 : memref<1x1x!tpu.dma_semaphore, #tpu.memory_space<semaphore_mem>> -> memref<!tpu.dma_semaphore, #tpu.memory_space<semaphore_mem>>
    %dma_wait3A_68 = arith.constant 96 : i32
    %dma_wait3A_69 = arith.constant 0 : i32
    %dma_wait3A_70 = arith.constant 0 : i32
    %dma_wait3A_71 = tpu.memref_slice %arg8[%select_n3A_17, %dma_wait3A_68, %dma_wait3A_69, %dma_wait3A_70] : memref<2x128x98x128xf32, #tpu.memory_space<vmem>> -> memref<1x32x98x128xf32, #tpu.memory_space<vmem>>
    %dma_wait3A_72 = tpu.memref_squeeze %dma_wait3A_71 : memref<1x32x98x128xf32, #tpu.memory_space<vmem>> -> memref<32x98x128xf32, #tpu.memory_space<vmem>>
    %dma_wait3A_73 = arith.constant 0 : i32
    %dma_wait3A_74 = arith.constant 0 : i32
    %dma_wait3A_75 = tpu.memref_slice %arg1[%add3A_64, %dma_wait3A_73, %dma_wait3A_74] : memref<4096x98x128xf32, #tpu.memory_space<hbm>> -> memref<32x98x128xf32, #tpu.memory_space<hbm>>
    tpu.wait_dma2 semaphore(%dma_wait3A_67 : memref<!tpu.dma_semaphore, #tpu.memory_space<semaphore_mem>>) src(%dma_wait3A_75 : memref<32x98x128xf32, #tpu.memory_space<hbm>>) dst(%dma_wait3A_72 : memref<32x98x128xf32, #tpu.memory_space<vmem>>)
    %get3A = arith.index_cast %select_n3A_17 : i32 to index
    %get3A_76 = arith.constant 0 : index
    %get3A_77 = arith.constant 0 : index
    %get3A_78 = arith.constant 0 : index
    %get3A_79 = vector.load %arg8[%get3A, %get3A_76, %get3A_77, %get3A_78] : memref<2x128x98x128xf32, #tpu.memory_space<vmem>>, vector<1x128x98x128xf32>
    %get3A_80 = vector.shape_cast %get3A_79 : vector<1x128x98x128xf32> to vector<128x98x128xf32>
    %slice3A = vector.extract_strided_slice %get3A_80 {offsets = [0, 0, 0], sizes = [128, 98, 64], strides = [1, 1, 1]} : vector<128x98x128xf32> to vector<128x98x64xf32>
    %get3A_81 = arith.constant 0 : index
    %get3A_82 = arith.constant 0 : index
    %get3A_83 = vector.load %arg2[%get3A_81, %get3A_82] : memref<98x128xf32, #tpu.memory_space<vmem>>, vector<98x128xf32>
    %dot_general3A = arith.constant dense<0.000000e+00> : vector<128x64x128xf32>
    %dot_general3A_84 = tpu.matmul %slice3A, %get3A_83, %dot_general3A {dimension_numbers = #tpu.dot_dimension_numbers<[1], [0], [0, 2], [1], [0, 0, 0, 2, 1, 1], [], []>, transpose_lhs_hint = false} : vector<128x98x64xf32>, vector<98x128xf32>, vector<128x64x128xf32> -> vector<128x64x128xf32>
    %slice3A_85 = vector.extract_strided_slice %get3A_80 {offsets = [0, 0, 64], sizes = [128, 98, 64], strides = [1, 1, 1]} : vector<128x98x128xf32> to vector<128x98x64xf32>
    %get3A_86 = arith.constant 0 : index
    %get3A_87 = arith.constant 0 : index
    %get3A_88 = vector.load %arg3[%get3A_86, %get3A_87] : memref<98x128xf32, #tpu.memory_space<vmem>>, vector<98x128xf32>
    %dot_general3A_89 = arith.constant dense<0.000000e+00> : vector<128x64x128xf32>
    %dot_general3A_90 = tpu.matmul %slice3A_85, %get3A_88, %dot_general3A_89 {dimension_numbers = #tpu.dot_dimension_numbers<[1], [0], [0, 2], [1], [0, 0, 0, 2, 1, 1], [], []>, transpose_lhs_hint = false} : vector<128x98x64xf32>, vector<98x128xf32>, vector<128x64x128xf32> -> vector<128x64x128xf32>
    %add3A_91 = arith.addf %dot_general3A_84, %dot_general3A_90 : vector<128x64x128xf32>
    %get3A_92 = arith.constant 0 : index
    %get3A_93 = arith.constant 0 : index
    %get3A_94 = vector.load %arg4[%get3A_92, %get3A_93] : memref<1x128xf32, #tpu.memory_space<vmem>>, vector<1x128xf32>
    %broadcast_in_dim3A = vector.shape_cast %get3A_94 : vector<1x128xf32> to vector<1x1x128xf32>
    %add3A_95 = vector.broadcast %broadcast_in_dim3A : vector<1x1x128xf32> to vector<128x64x128xf32>
    %add3A_96 = arith.addf %add3A_91, %add3A_95 : vector<128x64x128xf32>
    %max3A = arith.constant 0.000000e+00 : f32
    %max3A_97 = vector.broadcast %max3A : f32 to vector<128x64x128xf32>
    %max3A_98 = arith.maximumf %add3A_96, %max3A_97 : vector<128x64x128xf32>
    %reduce_sum3A = arith.constant dense<0.000000e+00> : vector<128x128xf32>
    %reduce_sum3A_99 = vector.multi_reduction <add>, %max3A_98, %reduce_sum3A [1] : vector<128x64x128xf32> to vector<128x128xf32>
    %div3A = arith.constant 6.400000e+01 : f32
    %div3A_100 = vector.broadcast %div3A : f32 to vector<128x128xf32>
    %div3A_101 = arith.divf %reduce_sum3A_99, %div3A_100 : vector<128x128xf32>
    %get3A_102 = arith.constant 0 : index
    %get3A_103 = arith.constant 0 : index
    %get3A_104 = vector.load %arg5[%get3A_102, %get3A_103] : memref<128x16xf32, #tpu.memory_space<vmem>>, vector<128x16xf32>
    %dot_general3A_105 = arith.constant dense<0.000000e+00> : vector<128x16xf32>
    %dot_general3A_106 = tpu.matmul %div3A_101, %get3A_104, %dot_general3A_105 {dimension_numbers = #tpu.dot_dimension_numbers<[1], [0], [0], [1], [0, 0, 1, 1], [], []>, transpose_lhs_hint = false} : vector<128x128xf32>, vector<128x16xf32>, vector<128x16xf32> -> vector<128x16xf32>
    %get3A_107 = arith.constant 0 : index
    %get3A_108 = arith.constant 0 : index
    %get3A_109 = vector.load %arg6[%get3A_107, %get3A_108] : memref<1x16xf32, #tpu.memory_space<vmem>>, vector<1x16xf32>
    %add3A_110 = vector.broadcast %get3A_109 : vector<1x16xf32> to vector<128x16xf32>
    %add3A_111 = arith.addf %dot_general3A_106, %add3A_110 : vector<128x16xf32>
    %swap3A = arith.constant 0 : index
    %swap3A_112 = arith.constant 0 : index
    %swap3A_113 = vector.load %arg7[%swap3A, %swap3A_112] : memref<128x16xf32, #tpu.memory_space<vmem>>, vector<128x16xf32>
    tpu.vector_store %arg7[%swap3A, %swap3A_112], %add3A_111 {strides = array<i32>} : memref<128x16xf32, #tpu.memory_space<vmem>>, vector<128x16xf32>,
    return
  }
  func.func @transform_1(%arg0: i32) -> (i32, i32) {
    %c0_i32 = arith.constant 0 : i32
    %c0_i32_0 = arith.constant 0 : i32
    %c0_i32_1 = arith.constant 0 : i32
    return %c0_i32, %c0_i32_0 : i32, i32
  }
  func.func @transform_2(%arg0: i32) -> (i32, i32) {
    %c0_i32 = arith.constant 0 : i32
    %c0_i32_0 = arith.constant 0 : i32
    %c0_i32_1 = arith.constant 0 : i32
    return %c0_i32, %c0_i32_0 : i32, i32
  }
  func.func @transform_3(%arg0: i32) -> (i32, i32) {
    %c0_i32 = arith.constant 0 : i32
    %c0_i32_0 = arith.constant 0 : i32
    %c0_i32_1 = arith.constant 0 : i32
    return %c0_i32, %c0_i32_0 : i32, i32
  }
  func.func @transform_4(%arg0: i32) -> (i32, i32) {
    %c0_i32 = arith.constant 0 : i32
    %c0_i32_0 = arith.constant 0 : i32
    %c0_i32_1 = arith.constant 0 : i32
    return %c0_i32, %c0_i32_0 : i32, i32
  }
  func.func @transform_5(%arg0: i32) -> (i32, i32) {
    %c0_i32 = arith.constant 0 : i32
    %c0_i32_0 = arith.constant 0 : i32
    %c0_i32_1 = arith.constant 0 : i32
    return %c0_i32, %c0_i32_0 : i32, i32
  }
  func.func @transform_6(%arg0: i32) -> (i32, i32) {
    %c0_i32 = arith.constant 0 : i32
    %c0_i32_0 = arith.constant 0 : i32
    return %arg0, %c0_i32 : i32, i32
  }
}

</mosaic_0001>

<sc_bundles>
// kernel: kernel.4.cloned.1.call-start
scs
__scs_entry_jumppad:
0x0: {  	(pc) =	sbr.rel $0x88, $3  }
0x1: {  	(tag) =	ssettag $0x0;
	lr =	simm.s32 $0x1  }
0x2: {  	[smem:$0x3F9C] =	sst lr;
	_ =	strace $0xD0000000  }
0x3: {  	_ = 	snop  }
0x4: {  	_ = 	snop  }
0x5: {  	_ = 	snop  }
0x6: {  	_ = 	snop  }
0x7: {  	_ = 	snop  }
__scs_overlays_trampoline_lowered:
0x8: {  	[smem:$0x3FAB] =	sst s0  }
0x9: {  	[smem:$0x3FAC] =	sst s1  }
0xa: {  	[smem:$0x3FAD] =	sst s2  }
0xb: {  	[smem:$0x3FAE] =	sst s3  }
0xc: {  	[smem:$0x3FAF] =	sst s4  }
0xd: {  	[smem:$0x3FB0] =	sst s5  }
0xe: {  	[smem:$0x3FB1] =	sst s6  }
0xf: {  	[smem:$0x3FB2] =	sst s7  }
0x10: {  	[smem:$0x3FB3] =	sst s8  }
0x11: {  	[smem:$0x3FB4] =	sst s9;
	s0 =	simm.s32 @!p0 $0x0  }
0x12: {  	s1 =	sld [smem:$0x3F9A];
	s0 =	simm.s32 @p0 $0x1  }
0x13: {  	[smem:$0x3FB5] =	sst s0;
	s0 =	simm.s32 @!p1 $0x0  }
0x14: {  	s2 =	sld [smem:$0x3F99];
	s0 =	simm.s32 @p1 $0x1  }
0x15: {  	[smem:$0x3FB6] =	sst s0;
	s0 =	simm.s32 @!p2 $0x0  }
0x16: {  	s3 =	sld [smem:$0x3FDB];
	s0 =	simm.s32 @p2 $0x1  }
0x17: {  	s4 =	simm.s32 $0x1BF5;
	[smem:$0x3FB8] =	sst s0  }
0x18: {  	s0 =	sld [smem:$0x3F9B];
	_ =	swait.ge [sflag:s4], $0x0  }
0x19: {  	s7 =	sld [smem:$0x3F9C]  }
0x1a: {  	s8 =	sadd.s32 $0xFFFFE003, lr  }
0x1b: {  	s9 =	sadd.s32 $0xFFFFFEF7, lr;
	s5 =	simm.s32 $0xFFFFFFFF;
	p2 =	slt.u32 s8, $0xFFFFF086  }
0x1c: {  	p1 =	slt.u32 s9, $0xF7A;
	s5 =	simm.s32 @!p2 $0x0  }
0x1d: {  	s5 =	simm.s32 @p1 $0x1;
	p0 =	seq.s32 s7, s2  }
0x1e: {  	s7 =	smul.u32 @!p0 $0xF7A, s2;
	p2 =	seq.s32 @!p0 s5, $0x0  }
0x1f: {  	s9 =	smul.u32 $0xF7A, s1;
	s8 =	simm.s32 @!p0 $0x1BF5;
	p2 =	por !p2, p0  }
0x20: {  	[sflag:s8] =	ssyncset.s32 @!p0 $0xFFFFF086;
	s6 =	sadd.s32 @!p0 s3, s7;
	s7 =	simm.s32 @!p0 $0x108  }
0x21: {  	s3 =	sadd.s32 s3, s9;
	s6 =	sadd.s32 @!p0 $0x88, s6;
	s7 =	simm.s32 @p2 $0x1082  }
0x22: {  	[simem:s7], [sflag:s8] =	dma.local @!p0 [hbm:s6], $0xF7A  }
0x23: {  	s9 =	sor.u32 $0xD0000000, s2;
	s6 =	simm.s32 $0x108;
	_ =	swait.ge @!p0 [sflag:s8], $0x0  }
0x24: {  	s3 =	sadd.s32 $0x88, s3;
	s6 =	simm.s32 @!p1 $0x1082;
	[sflag:s4] =	ssyncset.s32 $0xFFFFF086  }
0x25: {  	[simem:s6], [sflag:s4] =	dma.local [hbm:s3], $0xF7A  }
0x26: {  	[smem:$0x3F9C] =	sst s1;
	(tag) =	ssettag s2;
	_ =	strace s9  }
0x27: {  	s1 =	sld [smem:$0x3FAC]  }
0x28: {  	s2 =	sld [smem:$0x3FAD]  }
0x29: {  	s4 =	sld [smem:$0x3FAF]  }
0x2a: {  	p0 =	seq.s32 s5, $0x0;
	s5 =	sld [smem:$0x3FB0]  }
0x2b: {  	s6 =	sld [smem:$0x3FB1]  }
0x2c: {  	s7 =	sld [smem:$0x3FB2]  }
0x2d: {  	s3 =	simm.s32 $0x108;
	s8 =	sld [smem:$0x3FB3]  }
0x2e: {  	s3 =	simm.s32 @!p0 $0x1082;
	s9 =	sld [smem:$0x3FB4]  }
0x2f: {  	lr =	sadd.s32 s0, s3;
	s0 =	sld [smem:$0x3FAB]  }
0x30: {  	s3 =	sld [smem:$0x3FAE]  }
0x31: {  	[smem:$0x3FB7] =	sst s10  }
0x32: {  	s10 =	sld [smem:$0x3FB5];
	_ =	sdelay $0x3  }
0x33: {  	p0 =	seq.s32 s10, $0x1;
	s10 =	sld [smem:$0x3FB7];
	_ =	sdelay $0x3  }
0x34: {  	[smem:$0x3FB7] =	sst s10  }
0x35: {  	s10 =	sld [smem:$0x3FB6];
	_ =	sdelay $0x3  }
0x36: {  	p1 =	seq.s32 s10, $0x1;
	s10 =	sld [smem:$0x3FB7];
	_ =	sdelay $0x3  }
0x37: {  	[smem:$0x3FB7] =	sst s10  }
0x38: {  	s10 =	sld [smem:$0x3FB8]  }
0x39: {  	_ = 	snop;
	(pc) =	sbr.ind lr, $3  }
0x3a: {  	_ = 	snop  }
0x3b: {  	_ = 	snop  }
0x3c: {  	p2 =	seq.s32 s10, $0x1;
	s10 =	sld [smem:$0x3FB7]  }
0x3d: {  	_ =	shalt  }
0x3e: {  	_ =	shalt  }
0x3f: {  	_ =	shalt  }
0x40: {  	_ =	shalt  }
0x41: {  	_ =	shalt  }
0x42: {  	_ =	shalt  }
0x43: {  	_ =	shalt  }
0x44: {  	_ =	shalt  }
0x45: {  	_ =	shalt  }
0x46: {  	_ =	shalt  }
0x47: {  	_ =	shalt  }
0x48: {  	_ =	shalt  }
0x49: {  	_ =	shalt  }
0x4a: {  	_ =	shalt  }
0x4b: {  	_ =	shalt  }
0x4c: {  	_ =	shalt  }
0x4d: {  	_ =	shalt  }
0x4e: {  	_ =	shalt  }
0x4f: {  	_ =	shalt  }
0x50: {  	_ =	shalt  }
0x51: {  	_ =	shalt  }
0x52: {  	_ =	shalt  }
0x53: {  	_ =	shalt  }
0x54: {  	_ =	shalt  }
0x55: {  	_ =	shalt  }
0x56: {  	_ =	shalt  }
0x57: {  	_ =	shalt  }
0x58: {  	_ =	shalt  }
0x59: {  	_ =	shalt  }
0x5a: {  	_ =	shalt  }
0x5b: {  	_ =	shalt  }
0x5c: {  	_ =	shalt  }
0x5d: {  	_ =	shalt  }
0x5e: {  	_ =	shalt  }
0x5f: {  	_ =	shalt  }
0x60: {  	_ =	shalt  }
0x61: {  	_ =	shalt  }
0x62: {  	_ =	shalt  }
0x63: {  	_ =	shalt  }
0x64: {  	_ =	shalt  }
0x65: {  	_ =	shalt  }
0x66: {  	_ =	shalt  }
0x67: {  	_ =	shalt  }
0x68: {  	_ =	shalt  }
0x69: {  	_ =	shalt  }
0x6a: {  	_ =	shalt  }
0x6b: {  	_ =	shalt  }
0x6c: {  	_ =	shalt  }
0x6d: {  	_ =	shalt  }
0x6e: {  	_ =	shalt  }
0x6f: {  	_ =	shalt  }
0x70: {  	_ =	shalt  }
0x71: {  	_ =	shalt  }
0x72: {  	_ =	shalt  }
0x73: {  	_ =	shalt  }
0x74: {  	_ =	shalt  }
0x75: {  	_ =	shalt  }
0x76: {  	_ =	shalt  }
0x77: {  	_ =	shalt  }
0x78: {  	_ =	shalt  }
0x79: {  	_ =	shalt  }
0x7a: {  	_ =	shalt  }
0x7b: {  	_ =	shalt  }
0x7c: {  	_ =	shalt  }
0x7d: {  	_ =	shalt  }
0x7e: {  	_ =	shalt  }
0x7f: {  	_ =	shalt  }
0x80: {  	_ =	shalt  }
0x81: {  	_ =	shalt  }
0x82: {  	_ =	shalt  }
0x83: {  	_ =	shalt  }
0x84: {  	_ =	shalt  }
0x85: {  	_ =	shalt  }
0x86: {  	_ =	shalt  }
0x87: {  	_ =	shalt  }
.Lfunc_end0:
.L_simem_size_0:
called_computation_lowered:
.L_overlay_start_0:
0x88: {  	s2 =	sld [smem:$0x3FD9]  }
0x89: {  	s3 =	sld [smem:$0x3FFE];
	_ =	sdelay $0x1  }
0x8a: {  	s1 =	srdreg.scid  }
0x8b: {  	s0 =	sand.u32 $0x1, s1  }
0x8c: {  	s16 =	sshll.u32 s0, $0xA;
	s2 =	sadd.s32 s3, s2  }
0x8d: {  	s2 =	sadd.s32 s2, s16  }
0x8e: {  	[smem:$0x3FC3] =	sst s2  }
0x8f: {  	_ = 	snop  }
0x90: {  	(tm) =	ssettm $0x1  }
0x91: {  	s17 =	sld [smem:$0x3FFB];
	_ =	sdelay $0x3  }
0x92: {  	_ =	strace s17  }
0x93: {  	s2 =	sld [smem:$0x3FFC];
	_ =	sdelay $0x3  }
0x94: {  	_ =	strace s2  }
0x95: {  	s2 =	sld [smem:$0x3FFD];
	_ =	sdelay $0x3  }
0x96: {  	_ =	strace s2  }
0x97: {  	_ =	strace $0x8FFFFFFF  }
0x98: {  	s18 =	sld [smem:$0x3FDB];
	_ =	sdelay $0x1  }
0x99: {  	s19 =	simm.s32 $_scs_section_size  }
0x9a: {  	s4 =	simm.s32 $_size__tile_overlayer_lowered;
	s5 =	simm.s32 $_tile_overlayer_lowered  }
0x9b: {  	s22 =	simm.s32 $0x1BFF;
	s21 =	sshll.u32 s5, $0x1;
	s2 =	sadd.s32 s19, s18  }
0x9c: {  	s6 =	simm.s32 $0x0;
	s20 =	sshll.u32 s4, $0x1;
	s4 =	sadd.s32 s21, s2  }
0x9d: {  	[timem:s6], [sflag:s22] =	dma.local [hbm:s4], s20  }
0x9e: {  	_ =	swait.ge [sflag:s22], s20  }
0x9f: {  	s3 =	ssub.s32 $0x0, s20;
	[sflag:s22] =	ssyncset.done $0x0  }
0xa0: {  	[sflag:s22] =	ssyncadd.s32 s3;
	_ =	sdelay $0x1  }
0xa1: {  	s23 =	simm.s32 $0x1B8B  }
0xa2: {  	_ =	swait.ge [sflag:s23], $0x1  }
0xa3: {  	[sflag:s23] =	ssyncset.done $0x0  }
0xa4: {  	s25 =	simm.s32 $0x1B8E;
	s24 =	sld [smem:$0x3FFE];
	[sflag:s23] =	ssyncadd.s32 $0xFFFFFFFF  }
0xa5: {  	s26 =	simm.s32 $execute0_lowered;
	[smem:$0x3FD2] =	sst s25  }
0xa6: {  	s4 =	sshll.u32 s26, $0x1;
	_ =	strace $0x80000046;
	[dreg:$0x1] =	wrdreg $0xFFFFFFFF  }
0xa7: {  	s28 =	simm.s32 $_size_execute0_lowered;
	s2 =	sadd.s32 s2, s4;
	[dreg:$0x0] =	wrdreg $0x0  }
0xa8: {  	s4 =	sshll.u32 s28, $0x1;
	[dreg:$0x2] =	wrdreg s2  }
0xa9: {  	[dreg:$0x3] =	wrdreg s4  }
0xaa: {  	[dreg:$0x4] =	wrdreg $0xC0  }
0xab: {  	_ =	task [dreg:s6], $0x5FFFF  }
0xac: {  	[dreg:$0x1] =	wrdreg $0xFFFFFFFF  }
0xad: {  	[dreg:$0x0] =	wrdreg $0x60  }
0xae: {  	[dreg:$0x2] =	wrdreg s24  }
0xaf: {  	[dreg:$0x3] =	wrdreg $0x9  }
0xb0: {  	_ =	task.clear_ibuf [dreg:s6], $0x4FFFF;
	_ =	strace $0x90000046  }
0xb1: {  	s29 =	simm.s32 $0x9;
	_ =	strace $0x80000048  }
0xb2: {  	_ =	swait.ge [sflag:s29], $0x1  }
0xb3: {  	[sflag:s29] =	ssyncadd.s32 $0xFFFFFFFF  }
0xb4: {  	_ =	strace $0x90000048  }
0xb5: {  	_ =	sfence  }
0xb6: {  	s30 =	sld [smem:$0x0];
	_ =	sdelay $0x2  }
0xb7: {  	s31 =	sshll.u32 s1, $0xD;
	s1 =	sshrl.u32 s1, $0x2  }
0xb8: {  	s3 =	sand.u32 $0x4000, s31;
	s1 =	sadd.s32 s1, s30  }
0xb9: {  	s0 =	sor.u32 s3, s0;
	s1 =	sshll.u32 s1, $0x11  }
0xba: {  	s0 =	sor.u32 s1, s0  }
0xbb: {  	s0 =	sadd.s32 $0x8F2B, s0  }
0xbc: {  	[sflag:s0] =	ssyncadd.remote.s32 $0x1  }
0xbd: {  	_ =	sfence.sel $0xFFFF  }
0xbe: {  	[dreg:$0x0] =	wrdreg $0xFFFFFFFF;
	(pc) =	sbr.abs _section_cstart, $3  }
0xbf: {  	[dreg:$0x1] =	wrdreg $0xFFFFFFFF  }
0xc0: {  	_ =	task.clear_ibuf [dreg:s6], $0x2FFFF;
	_ =	strace $0x9FFFFFFF  }
0xc1: {  	(tm) =	ssettm $0x7FFFFFFF  }
tec
execute0_lowered:
.L_overlay_start_1:
0x0: {  	(tag) =	ssettag $0x1  }
0x1: {  	s3 =	rddreg [dreg:$0x0]  }
0x2: {  	s0 =	rddreg [dreg:$0x1];
	s4 =	srdreg.scid  }
0x3: {  	s2 =	simm.s32 $0x0;
	s1 =	stileid.u32;
	s4 =	sand.u32 $0x1, s4  }
0x4: {  	s7 =	simm.s32 $0x4000;
	s5 =	sshll.u32 s1, $0xC;
	s6 =	sshll.u32 s4, $0xB  }
0x5: {  	s8 =	simm.s32 $0x0;
	s4 =	ssub.s32 $0x2, s4;
	s5 =	sor.u32 s6, s5  }
0x6: {  	[smem:$0x7FF] =	sst s2;
	s31 =	sshrl.u32 s4, $0x1;
	s5 =	sadd.s32 s5, s3  }
0x7: {  	_ =	strace $0x80000047;
	s6 =	ssub.s32 s4, s31;
	s3 =	sadd.s32 $0xA00, s5  }
0x8: {  	v0 =	vlaneseq.u32;
	vm0 =	vmmov $0x1;
	s4 =	sadd.s32 $0x10A00, s5;
	s5 =	smax.u32 s6, $0x1;
	s6 =	simm.s32 $0x1  }
.LBB2_1:
0x9: {  	[tilespmem:s2], [sflag:$0x1] =	stream.linear.gather [hbm4b:s3+s2], $0x4000, $0x38;
	[tilespmem:$0x8000] =	vst v63  }
0xa: {  	_ =	swait.ge [sflag:s6], $0x4000  }
0xb: {  	[sflag:s6] =	ssyncset.done $0x0  }
0xc: {  	[sflag:s6] =	ssyncadd.s32 $0xFFFFC000  }
0xd: {  	s10 =	simm.s32 $0x1;
	s9 =	simm.s32 $0x0;
	s11 =	simm.s32 $0x0;
	v1 =	vld [tilespmem:s2+$0x0]  }
.LBB2_2:
0xe: {  	p0 =	sne.s32 s10, $0x7F;
	_ =	sdelay $0x3  }
0xf: {  	v1 =	vmul.f32 $1.111111160e+00, v1;
	_ =	sdelay $0x1  }
0x10: {  	(xrf0) =	vmax.scan.msk.f32 $0xffff, v1;
	_ =	sdelay $0x5  }
0x11: {  	v2, _, _ =	vpop (xrf0)  }
0x12: {  	v2 =	vbroadcast v2, $0xF;
	_ =	sdelay $0x1  }
0x13: {  	v1 =	vsub.f32 v1, v2;
	_ =	sdelay $0x1  }
0x14: {  	v1 =	vmul.f32 $1.442695020e+00, v1;
	_ =	sdelay $0x1  }
0x15: {  	(erf) = vpow2.f32 v1;
	_ =	sdelay $0x8  }
0x16: {  	v1 =	vpop (erf)  }
0x17: {  	(xrf2) =	vadd.scan.msk.f32 $0xffff, v1;
	_ =	sdelay $0x9  }
0x18: {  	v2, _, _ =	vpop (xrf2)  }
0x19: {  	v2 =	vbroadcast v2, $0xF;
	_ =	sdelay $0x1  }
0x1a: {  	(erf) = vrcp.f32 v2;
	_ =	sdelay $0x8  }
0x1b: {  	v2 =	vpop (erf)  }
0x1c: {  	v1 =	vmul.f32 v2, v1;
	_ =	sdelay $0x1  }
0x1d: {  	(xrf1) =	vsort.dscd.msk.f32 $0xffff, v1, v0;
	_ =	sdelay $0xd  }
0x1e: {  	v1, v2, _ =	vpop (xrf1)  }
0x1f: {  	(xrf2) =	vadd.scan.msk.f32 $0xffff, v1;
	_ =	sdelay $0x9  }
0x20: {  	v3, _, _ =	vpop (xrf2)  }
0x21: {  	vm1 =	vle.f32 v3, $8.000000110e-01  }
0x22: {  	vm1 =	vmor vm1, vm0  }
0x23: {  	v1 =	vnsel vm1, $0x0, v1  }
0x24: {  	(xrf2) =	vadd.scan.msk.f32 $0xffff, v1;
	_ =	sdelay $0x9  }
0x25: {  	v3, _, _ =	vpop (xrf2)  }
0x26: {  	(v2sf) =	vpush v3, $0xF;
	_ =	sdelay $0xe  }
0x27: {  	s12 =	spop (v2sf)  }
0x28: {  	s12 =	smax.f32 s12, $1.000000010e-10  }
0x29: {  	v3 =	vmov s12  }
0x2a: {  	(erf) = vrcp.f32 v3;
	_ =	sdelay $0x4  }
0x2b: {  	s12 =	sshll.u32 s9, $0x7;
	s9 =	smov.u32 s10;
	v3 =	vand.u32 $0xFFFFFF80, v2  }
0x2c: {  	v2 =	vand.u32 $0x7F, v2;
	v3 =	vadd.s32 s12, v3  }
0x2d: {  	v2 =	vor.u32 v2, v3;
	_ =	sdelay $0x1  }
.Ltmp0:
0x2e: {  	v3 =	vpop (erf);
	(pc) =	sbr.rel @p0 .LBB2_2-.Ltmp0, $3  }
0x2f: {  	v1 =	vmul.f32 v3, v1;
	_ =	sdelay $0x1  }
0x30: {  	s11 =	sadd.s32 $0x80, s11;
	[tilespmem:v2+s7+$0x0] =	vst.idx.msk $0xffff, v1  }
0x31: {  	s10 =	sadd.s32 $0x1, s10;
	v1 =	vld [tilespmem:s11+$0x0]  }
0x32: {  	_ =	sdelay $0x3  }
0x33: {  	v1 =	vmul.f32 $1.111111160e+00, v1;
	_ =	sdelay $0x1  }
0x34: {  	(xrf0) =	vmax.scan.msk.f32 $0xffff, v1;
	_ =	sdelay $0x5  }
0x35: {  	v2, _, _ =	vpop (xrf0)  }
0x36: {  	v2 =	vbroadcast v2, $0xF;
	_ =	sdelay $0x1  }
0x37: {  	v1 =	vsub.f32 v1, v2;
	_ =	sdelay $0x1  }
0x38: {  	v1 =	vmul.f32 $1.442695020e+00, v1;
	_ =	sdelay $0x1  }
0x39: {  	(erf) = vpow2.f32 v1;
	_ =	sdelay $0x8  }
0x3a: {  	v1 =	vpop (erf)  }
0x3b: {  	(xrf2) =	vadd.scan.msk.f32 $0xffff, v1;
	_ =	sdelay $0x9  }
0x3c: {  	v2, _, _ =	vpop (xrf2)  }
0x3d: {  	v2 =	vbroadcast v2, $0xF;
	_ =	sdelay $0x1  }
0x3e: {  	(erf) = vrcp.f32 v2;
	_ =	sdelay $0x8  }
0x3f: {  	v2 =	vpop (erf)  }
0x40: {  	v1 =	vmul.f32 v2, v1;
	_ =	sdelay $0x1  }
0x41: {  	(xrf1) =	vsort.dscd.msk.f32 $0xffff, v1, v0;
	_ =	sdelay $0xd  }
0x42: {  	v1, v2, _ =	vpop (xrf1)  }
0x43: {  	(xrf2) =	vadd.scan.msk.f32 $0xffff, v1;
	_ =	sdelay $0x9  }
0x44: {  	v3, _, _ =	vpop (xrf2)  }
0x45: {  	vm1 =	vle.f32 v3, $8.000000110e-01  }
0x46: {  	vm1 =	vmor vm1, vm0  }
0x47: {  	v1 =	vnsel vm1, $0x0, v1  }
0x48: {  	(xrf2) =	vadd.scan.msk.f32 $0xffff, v1;
	_ =	sdelay $0x9  }
0x49: {  	v3, _, _ =	vpop (xrf2)  }
0x4a: {  	(v2sf) =	vpush v3, $0xF;
	_ =	sdelay $0xe  }
0x4b: {  	s10 =	spop (v2sf)  }
0x4c: {  	s10 =	smax.f32 s10, $1.000000010e-10  }
0x4d: {  	v3 =	vmov s10  }
0x4e: {  	(erf) = vrcp.f32 v3;
	_ =	sdelay $0x4  }
0x4f: {  	s9 =	sshll.u32 s9, $0x7;
	v3 =	vand.u32 $0xFFFFFF80, v2  }
0x50: {  	v2 =	vand.u32 $0x7F, v2;
	v3 =	vadd.s32 s9, v3  }
0x51: {  	v2 =	vor.u32 v2, v3;
	_ =	sdelay $0x1  }
0x52: {  	v3 =	vpop (erf)  }
0x53: {  	s8 =	sadd.s32 $0x1, s8;
	v1 =	vmul.f32 v3, v1  }
0x54: {  	p0 =	sne.s32 s8, s5  }
.Ltmp1:
0x55: {  	[tilespmem:v2+s7+$0x0] =	vst.idx.msk $0xffff, v1;
	(pc) =	sbr.rel @p0 .LBB2_1-.Ltmp1, $4  }
0x56: {  	[hbm4b:s4+s2] =	stream.linear.scatter [tilespmem:s7], [sflag:$0x1], $0x4000, $0x38;
	[tilespmem:$0x8000] =	vst v63  }
0x57: {  	_ =	swait.ge [sflag:s6], $0x4000  }
0x58: {  	[sflag:s6] =	ssyncset.done $0x0  }
0x59: {  	[sflag:s6] =	ssyncadd.s32 $0xFFFFC000  }
0x5a: {  	_ =	sfence.sel $0x180000  }
0x5b: {  	[bflag:$0x0] =	sbarrier.arrive $0xFFFF  }
0x5c: {  	p0 =	sne.s32 s1, $0x0;
	_ =	strace $0x90000047  }
0x5d: {  	s0 =	sadd.s32 @!p0 $0x100000, s0;
	[bflag:$0x2] =	sbarrier.arrive $0xFFFF  }
0x5e: {  	[sflag:s0] =	ssyncadd.tile.s32 @!p0 $0x1;
	_ =	shalt  }
.Lfunc_end2:
_tile_overlayer_lowered:
.L_overlay_start_2:
0x5f: {  	(tag) =	ssettag $0x2  }
0x60: {  	s0 =	rddreg [dreg:$0x0];
	s2 =	stileid.u32  }
0x61: {  	s1 =	rddreg [dreg:$0x1];
	p0 =	sne.s32 s2, $0x0  }
0x62: {  	s3 =	rddreg [dreg:$0x2];
	[bflag:$0x3] =	sbarrier.arrive $0xFFFF;
	s2 =	simm.s32 @!p0 $0x1C01  }
0x63: {  	[timem:s3], [sflag:s2] =	dma.local @!p0 [hbm:s0], s1  }
0x64: {  	s0 =	simm.s32 @!p0 $0x1  }
0x65: {  	_ =	swait.ge @!p0 [sflag:s0], s1  }
0x66: {  	s1 =	ssub.s32 @!p0 $0x0, s1;
	[sflag:s0] =	ssyncset.done @!p0 $0x0  }
0x67: {  	[sflag:s0] =	ssyncadd.s32 @!p0 s1  }
0x68: {  	[bflag:$0x3] =	sbarrier.arrive $0xFFFF  }
0x69: {  	_ =	shalt  }

</sc_bundles>
